<compile_context>
chip_gen: v7x
topology: tpu7x:2x2x1
jax: 0.10.2.dev20260603
libtpu: 0.0.44.dev20260713+nightly
codegen_flags: <defaults>
</compile_context>

<pallas_src>
import functools

import jax
import jax.numpy as jnp
from jax import lax
from jax.experimental import pallas as pl
from jax.experimental.pallas import tpu as pltpu
from jax.experimental.pallas import tpu_sc as plsc

_N = 10000
_DEG = 32
_D = 128
_NCORE = 2
_NSUB = 16
_NW = _NCORE * _NSUB
_BW = 320
_NPAD = _NW * _BW
_CH = 64
_NCHUNK = _BW // _CH
_MM_BLK = 1000


def _mm_body(x_ref, w_ref, o_ref):
    o_ref[...] = jnp.dot(x_ref[...], w_ref[...],
                         preferred_element_type=jnp.float32)


def _matmul(x, w):
    return pl.pallas_call(
        _mm_body,
        grid=(_N // _MM_BLK,),
        in_specs=[
            pl.BlockSpec((_MM_BLK, _D), lambda i: (i, 0)),
            pl.BlockSpec((_D, _D), lambda i: (0, 0)),
        ],
        out_specs=pl.BlockSpec((_MM_BLK, _D), lambda i: (i, 0)),
        out_shape=jax.ShapeDtypeStruct((_N, _D), jnp.float32),
    )(x, w)


_mesh = plsc.VectorSubcoreMesh(core_axis_name="c", subcore_axis_name="s")


@functools.partial(
    pl.kernel,
    out_type=jax.ShapeDtypeStruct((_NPAD, _D), jnp.float32),
    mesh=_mesh,
    scratch_types=[
        pltpu.VMEM((_NCHUNK * _DEG, _CH), jnp.int32),
        pltpu.VMEM((_BW, _D), jnp.float32),
        pltpu.SemaphoreType.DMA,
        pltpu.SemaphoreType.DMA,
    ],
)
def _sc_agg(xw_hbm, idx_hbm, out_hbm, idx_v, acc_v, sem0, sem1):
    wid = lax.axis_index("s") * _NCORE + lax.axis_index("c")
    base = wid * _BW
    pltpu.sync_copy(idx_hbm.at[wid], idx_v)

    for c in range(_NCHUNK):
        pltpu.async_copy(xw_hbm.at[idx_v.at[c * _DEG]],
                         acc_v.at[pl.ds(c * _CH, _CH)], sem0)
    for c in range(_NCHUNK):
        pltpu.make_async_copy(xw_hbm.at[idx_v.at[c * _DEG]],
                              acc_v.at[pl.ds(c * _CH, _CH)], sem0).wait()

    n_add = _NCHUNK * (_DEG - 1)

    def _fire(g, carry):
        c = g // (_DEG - 1)
        j = g % (_DEG - 1) + 1
        pltpu.async_copy(xw_hbm.at[idx_v.at[c * _DEG + j]],
                         acc_v.at[pl.ds(c * _CH, _CH)], sem1, add=True)
        return carry

    lax.fori_loop(0, n_add, _fire, 0)

    def _drain(g, carry):
        pltpu.make_async_copy(xw_hbm.at[idx_v.at[0]],
                              acc_v.at[pl.ds(0, _CH)], sem1).wait()
        return carry

    lax.fori_loop(0, n_add, _drain, 0)

    pltpu.sync_copy(acc_v, out_hbm.at[pl.ds(base, _BW)])


def _prepare_indices(column_index):
    ci = column_index.reshape(_N, _DEG)
    ci = jnp.pad(ci, ((0, _NPAD - _N), (0, 0)))
    ci = ci.reshape(_NW, _NCHUNK, _CH, _DEG)
    ci = ci.transpose(0, 1, 3, 2)
    return ci.reshape(_NW, _NCHUNK * _DEG, _CH)


def kernel(X, row_pointers, column_index, blockPartition, edgeToColumn,
           edgeToRow, hybrid_type, row_nzr, col_nzr, output, W):
    xw = _matmul(X, W)
    idx = _prepare_indices(column_index)
    out = _sc_agg(xw, idx)
    return out[:_N]

# --- scband reference (transcript-rebuilt; emitter-appended) ---
"""Pipeline reference for scband-ginconv-23433341567795 (READ-ONLY COPY).

The authoritative reference and input builder live on the scoring server;
editing this copy changes nothing except your own understanding.
"""

import jax, jax.numpy as jnp
import numpy as np

N = 10000
DEG = 32
E = N * DEG
D_IN = 128
D_OUT = 128


def setup_inputs(seed: int = 0) -> dict:
    key = jax.random.key(seed)
    k1, k2, k3 = jax.random.split(key, 3)
    X = jax.random.normal(k1, (N, D_IN), dtype=jnp.float32)
    # Valid CSR: uniform degree DEG per node
    row_pointers = (jnp.arange(N + 1, dtype=jnp.int32) * DEG)
    column_index = jax.random.randint(k2, (E,), 0, N, dtype=jnp.int32)
    # Kernel-metadata tensors (unused by the math; the CUDA kernel uses them for tiling)
    blockPartition = jnp.zeros((625,), dtype=jnp.int32)
    edgeToColumn = jnp.arange(E, dtype=jnp.int32)
    edgeToRow = jnp.repeat(jnp.arange(N, dtype=jnp.int32), DEG)
    hybrid_type = jnp.zeros((1,), dtype=jnp.int32)
    row_nzr = jnp.arange(N, dtype=jnp.int32)
    col_nzr = jax.random.randint(k3, (E,), 0, N, dtype=jnp.int32)
    output = jnp.zeros((N, D_OUT), dtype=jnp.float32)
    # Learned parameter: GINConv weights (input_dim, output_dim)
    W = jax.random.normal(jax.random.fold_in(key, 7), (D_IN, D_OUT), dtype=jnp.float32) * 0.05
    return {
        "X": X,
        "row_pointers": row_pointers,
        "column_index": column_index,
        "blockPartition": blockPartition,
        "edgeToColumn": edgeToColumn,
        "edgeToRow": edgeToRow,
        "hybrid_type": hybrid_type,
        "row_nzr": row_nzr,
        "col_nzr": col_nzr,
        "output": output,
        "W": W,
    }


def _csr_spmm(X, row_pointers, column_index):
    # Derive the destination row id of every nonzero from the CSR row pointers.
    n_edges = column_index.shape[0]
    edge_ids = jnp.arange(n_edges)
    row_ids = jnp.searchsorted(row_pointers, edge_ids, side="right") - 1
    row_ids = jnp.clip(row_ids, 0, row_pointers.shape[0] - 2)
    gathered = jnp.take(X, column_index, axis=0)  # [E, d]
    X_prime = jax.ops.segment_sum(gathered, row_ids, num_segments=row_pointers.shape[0] - 1)
    return X_prime


def reference(X, row_pointers, column_index, blockPartition, edgeToColumn, edgeToRow, hybrid_type, row_nzr, col_nzr, output, W):
    # HCSPMM.forward_fixed32_fused: X_prime = A @ X (sum-aggregation over CSR adjacency),
    # then fused dense projection X_prime_new = X_prime @ W. Returns X_prime_new.
    X_prime = _csr_spmm(X, row_pointers, column_index)
    X_prime_new = X_prime @ W
    return X_prime_new

if __name__ == "__main__":
    import jax
    _d = setup_inputs()
    print(jax.jit(kernel)(*tuple(_d.values())))

</pallas_src>

<mosaic_0001>
#map = affine_map<(d0, d1) -> (0, 0)>
#map1 = affine_map<(d0, d1) -> (0, 0, 0)>
module attributes {stable_mosaic.version = 14 : i64} {
  func.func @_sc_agg(%arg0: i32, %arg1: i32, %arg2: memref<10000x128xf32, #tpu.memory_space<hbm>>, %arg3: memref<32x160x64xi32, #tpu.memory_space<hbm>>, %arg4: memref<10240x128xf32, #tpu.memory_space<hbm>>, %arg5: memref<160x64xi32, #tpu.memory_space<vmem>>, %arg6: memref<320x128xf32, #tpu.memory_space<vmem>>, %arg7: memref<!tpu.dma_semaphore, #tpu.memory_space<semaphore_mem>>, %arg8: memref<!tpu.dma_semaphore, #tpu.memory_space<semaphore_mem>>) attributes {dimension_semantics = [#tpu.dimension_semantics<core_parallel>, #tpu.dimension_semantics<subcore_parallel>], iteration_bounds = array<i64: 2, 16>, scalar_prefetch = 0 : i64, scratch_operands = 4 : i64, tpu.core_type = #tpu.core_type<sc_vector_subcore>, window_params = [{transform_indices = #map}, {transform_indices = #map1}, {transform_indices = #map}]} {
    %mul3A = arith.constant 2 : i32
    %mul3A_0 = arith.muli %arg1, %mul3A : i32
    %add3A = arith.addi %mul3A_0, %arg0 : i32
    %mul3A_1 = arith.constant 320 : i32
    %mul3A_2 = arith.muli %add3A, %mul3A_1 : i32
    "tpu.region"() ({
      %run_scoped3A = tpu.sem_alloc : memref<!tpu.dma_semaphore, #tpu.memory_space<semaphore_mem>>
      %dma_start3A_112 = arith.constant 0 : i32
      %dma_start3A_113 = arith.constant 0 : i32
      %dma_start3A_114 = tpu.memref_slice %arg3[%add3A, %dma_start3A_112, %dma_start3A_113] : memref<32x160x64xi32, #tpu.memory_space<hbm>> -> memref<1x160x64xi32, #tpu.memory_space<hbm>>
      %dma_start3A_115 = tpu.memref_squeeze %dma_start3A_114 : memref<1x160x64xi32, #tpu.memory_space<hbm>> -> memref<160x64xi32, #tpu.memory_space<hbm>>
      %dma_start3A_116 = arith.constant 0 : i32
      %dma_start3A_117 = arith.constant 0 : i32
      %dma_start3A_118 = tpu.memref_slice %arg3[%add3A, %dma_start3A_116, %dma_start3A_117] : memref<32x160x64xi32, #tpu.memory_space<hbm>> -> memref<1x160x64xi32, #tpu.memory_space<hbm>>
      %dma_start3A_119 = tpu.memref_squeeze %dma_start3A_118 : memref<1x160x64xi32, #tpu.memory_space<hbm>> -> memref<160x64xi32, #tpu.memory_space<hbm>>
      tpu.enqueue_dma source(%dma_start3A_119 : memref<160x64xi32, #tpu.memory_space<hbm>>) target(%arg5 : memref<160x64xi32, #tpu.memory_space<vmem>>) target_semaphore(%run_scoped3A : memref<!tpu.dma_semaphore, #tpu.memory_space<semaphore_mem>>)
      %dma_wait3A_120 = arith.constant 0 : i32
      %dma_wait3A_121 = arith.constant 0 : i32
      %dma_wait3A_122 = tpu.memref_slice %arg3[%add3A, %dma_wait3A_120, %dma_wait3A_121] : memref<32x160x64xi32, #tpu.memory_space<hbm>> -> memref<1x160x64xi32, #tpu.memory_space<hbm>>
      %dma_wait3A_123 = tpu.memref_squeeze %dma_wait3A_122 : memref<1x160x64xi32, #tpu.memory_space<hbm>> -> memref<160x64xi32, #tpu.memory_space<hbm>>
      %dma_wait3A_124 = arith.constant 0 : i32
      %dma_wait3A_125 = arith.constant 0 : i32
      %dma_wait3A_126 = tpu.memref_slice %arg3[%add3A, %dma_wait3A_124, %dma_wait3A_125] : memref<32x160x64xi32, #tpu.memory_space<hbm>> -> memref<1x160x64xi32, #tpu.memory_space<hbm>>
      %dma_wait3A_127 = tpu.memref_squeeze %dma_wait3A_126 : memref<1x160x64xi32, #tpu.memory_space<hbm>> -> memref<160x64xi32, #tpu.memory_space<hbm>>
      tpu.wait_dma2 semaphore(%run_scoped3A : memref<!tpu.dma_semaphore, #tpu.memory_space<semaphore_mem>>) src(%dma_wait3A_127 : memref<160x64xi32, #tpu.memory_space<hbm>>) dst(%arg5 : memref<160x64xi32, #tpu.memory_space<vmem>>)
      tpu.yield
    }) : () -> ()
    %dma_start3A = arith.constant 0 : i32
    %dma_start3A_3 = arith.constant 0 : i32
    %dma_start3A_4 = arith.constant 0 : i32
    %dma_start3A_5 = tpu.memref_slice %arg6[%dma_start3A_3, %dma_start3A_4] : memref<320x128xf32, #tpu.memory_space<vmem>> -> memref<64x128xf32, #tpu.memory_space<vmem>>
    %dma_start3A_6 = arith.constant 0 : i32
    %dma_start3A_7 = tpu.memref_slice %arg5[%dma_start3A, %dma_start3A_6] : memref<160x64xi32, #tpu.memory_space<vmem>> -> memref<1x64xi32, #tpu.memory_space<vmem>>
    %dma_start3A_8 = tpu.memref_squeeze %dma_start3A_7 : memref<1x64xi32, #tpu.memory_space<vmem>> -> memref<64xi32, #tpu.memory_space<vmem>>
    %dma_start3A_9 = arith.constant 0 : i32
    %dma_start3A_10 = arith.constant 0 : i32
    %dma_start3A_11 = tpu.memref_slice %arg2[%dma_start3A_9, %dma_start3A_10] : memref<10000x128xf32, #tpu.memory_space<hbm>> -> memref<10000x128xf32, #tpu.memory_space<hbm>>
    tpu.enqueue_indirect_dma source(%dma_start3A_11 : memref<10000x128xf32, #tpu.memory_space<hbm>>) target(%dma_start3A_5 : memref<64x128xf32, #tpu.memory_space<vmem>>) offsets(%dma_start3A_8 : memref<64xi32, #tpu.memory_space<vmem>>) semaphore(%arg7 : memref<!tpu.dma_semaphore, #tpu.memory_space<semaphore_mem>>)
    %dma_start3A_12 = arith.constant 32 : i32
    %dma_start3A_13 = arith.constant 64 : i32
    %dma_start3A_14 = arith.constant 0 : i32
    %dma_start3A_15 = tpu.memref_slice %arg6[%dma_start3A_13, %dma_start3A_14] : memref<320x128xf32, #tpu.memory_space<vmem>> -> memref<64x128xf32, #tpu.memory_space<vmem>>
    %dma_start3A_16 = arith.constant 0 : i32
    %dma_start3A_17 = tpu.memref_slice %arg5[%dma_start3A_12, %dma_start3A_16] : memref<160x64xi32, #tpu.memory_space<vmem>> -> memref<1x64xi32, #tpu.memory_space<vmem>>
    %dma_start3A_18 = tpu.memref_squeeze %dma_start3A_17 : memref<1x64xi32, #tpu.memory_space<vmem>> -> memref<64xi32, #tpu.memory_space<vmem>>
    %dma_start3A_19 = arith.constant 0 : i32
    %dma_start3A_20 = arith.constant 0 : i32
    %dma_start3A_21 = tpu.memref_slice %arg2[%dma_start3A_19, %dma_start3A_20] : memref<10000x128xf32, #tpu.memory_space<hbm>> -> memref<10000x128xf32, #tpu.memory_space<hbm>>
    tpu.enqueue_indirect_dma source(%dma_start3A_21 : memref<10000x128xf32, #tpu.memory_space<hbm>>) target(%dma_start3A_15 : memref<64x128xf32, #tpu.memory_space<vmem>>) offsets(%dma_start3A_18 : memref<64xi32, #tpu.memory_space<vmem>>) semaphore(%arg7 : memref<!tpu.dma_semaphore, #tpu.memory_space<semaphore_mem>>)
    %dma_start3A_22 = arith.constant 64 : i32
    %dma_start3A_23 = arith.constant 128 : i32
    %dma_start3A_24 = arith.constant 0 : i32
    %dma_start3A_25 = tpu.memref_slice %arg6[%dma_start3A_23, %dma_start3A_24] : memref<320x128xf32, #tpu.memory_space<vmem>> -> memref<64x128xf32, #tpu.memory_space<vmem>>
    %dma_start3A_26 = arith.constant 0 : i32
    %dma_start3A_27 = tpu.memref_slice %arg5[%dma_start3A_22, %dma_start3A_26] : memref<160x64xi32, #tpu.memory_space<vmem>> -> memref<1x64xi32, #tpu.memory_space<vmem>>
    %dma_start3A_28 = tpu.memref_squeeze %dma_start3A_27 : memref<1x64xi32, #tpu.memory_space<vmem>> -> memref<64xi32, #tpu.memory_space<vmem>>
    %dma_start3A_29 = arith.constant 0 : i32
    %dma_start3A_30 = arith.constant 0 : i32
    %dma_start3A_31 = tpu.memref_slice %arg2[%dma_start3A_29, %dma_start3A_30] : memref<10000x128xf32, #tpu.memory_space<hbm>> -> memref<10000x128xf32, #tpu.memory_space<hbm>>
    tpu.enqueue_indirect_dma source(%dma_start3A_31 : memref<10000x128xf32, #tpu.memory_space<hbm>>) target(%dma_start3A_25 : memref<64x128xf32, #tpu.memory_space<vmem>>) offsets(%dma_start3A_28 : memref<64xi32, #tpu.memory_space<vmem>>) semaphore(%arg7 : memref<!tpu.dma_semaphore, #tpu.memory_space<semaphore_mem>>)
    %dma_start3A_32 = arith.constant 96 : i32
    %dma_start3A_33 = arith.constant 192 : i32
    %dma_start3A_34 = arith.constant 0 : i32
    %dma_start3A_35 = tpu.memref_slice %arg6[%dma_start3A_33, %dma_start3A_34] : memref<320x128xf32, #tpu.memory_space<vmem>> -> memref<64x128xf32, #tpu.memory_space<vmem>>
    %dma_start3A_36 = arith.constant 0 : i32
    %dma_start3A_37 = tpu.memref_slice %arg5[%dma_start3A_32, %dma_start3A_36] : memref<160x64xi32, #tpu.memory_space<vmem>> -> memref<1x64xi32, #tpu.memory_space<vmem>>
    %dma_start3A_38 = tpu.memref_squeeze %dma_start3A_37 : memref<1x64xi32, #tpu.memory_space<vmem>> -> memref<64xi32, #tpu.memory_space<vmem>>
    %dma_start3A_39 = arith.constant 0 : i32
    %dma_start3A_40 = arith.constant 0 : i32
    %dma_start3A_41 = tpu.memref_slice %arg2[%dma_start3A_39, %dma_start3A_40] : memref<10000x128xf32, #tpu.memory_space<hbm>> -> memref<10000x128xf32, #tpu.memory_space<hbm>>
    tpu.enqueue_indirect_dma source(%dma_start3A_41 : memref<10000x128xf32, #tpu.memory_space<hbm>>) target(%dma_start3A_35 : memref<64x128xf32, #tpu.memory_space<vmem>>) offsets(%dma_start3A_38 : memref<64xi32, #tpu.memory_space<vmem>>) semaphore(%arg7 : memref<!tpu.dma_semaphore, #tpu.memory_space<semaphore_mem>>)
    %dma_start3A_42 = arith.constant 128 : i32
    %dma_start3A_43 = arith.constant 256 : i32
    %dma_start3A_44 = arith.constant 0 : i32
    %dma_start3A_45 = tpu.memref_slice %arg6[%dma_start3A_43, %dma_start3A_44] : memref<320x128xf32, #tpu.memory_space<vmem>> -> memref<64x128xf32, #tpu.memory_space<vmem>>
    %dma_start3A_46 = arith.constant 0 : i32
    %dma_start3A_47 = tpu.memref_slice %arg5[%dma_start3A_42, %dma_start3A_46] : memref<160x64xi32, #tpu.memory_space<vmem>> -> memref<1x64xi32, #tpu.memory_space<vmem>>
    %dma_start3A_48 = tpu.memref_squeeze %dma_start3A_47 : memref<1x64xi32, #tpu.memory_space<vmem>> -> memref<64xi32, #tpu.memory_space<vmem>>
    %dma_start3A_49 = arith.constant 0 : i32
    %dma_start3A_50 = arith.constant 0 : i32
    %dma_start3A_51 = tpu.memref_slice %arg2[%dma_start3A_49, %dma_start3A_50] : memref<10000x128xf32, #tpu.memory_space<hbm>> -> memref<10000x128xf32, #tpu.memory_space<hbm>>
    tpu.enqueue_indirect_dma source(%dma_start3A_51 : memref<10000x128xf32, #tpu.memory_space<hbm>>) target(%dma_start3A_45 : memref<64x128xf32, #tpu.memory_space<vmem>>) offsets(%dma_start3A_48 : memref<64xi32, #tpu.memory_space<vmem>>) semaphore(%arg7 : memref<!tpu.dma_semaphore, #tpu.memory_space<semaphore_mem>>)
    %dma_wait3A = arith.constant 0 : i32
    %dma_wait3A_52 = arith.constant 0 : i32
    %dma_wait3A_53 = arith.constant 0 : i32
    %dma_wait3A_54 = tpu.memref_slice %arg6[%dma_wait3A_52, %dma_wait3A_53] : memref<320x128xf32, #tpu.memory_space<vmem>> -> memref<64x128xf32, #tpu.memory_space<vmem>>
    %dma_wait3A_55 = arith.constant 0 : i32
    %dma_wait3A_56 = tpu.memref_slice %arg5[%dma_wait3A, %dma_wait3A_55] : memref<160x64xi32, #tpu.memory_space<vmem>> -> memref<1x64xi32, #tpu.memory_space<vmem>>
    %dma_wait3A_57 = tpu.memref_squeeze %dma_wait3A_56 : memref<1x64xi32, #tpu.memory_space<vmem>> -> memref<64xi32, #tpu.memory_space<vmem>>
    %dma_wait3A_58 = arith.constant 0 : i32
    %dma_wait3A_59 = arith.constant 0 : i32
    %dma_wait3A_60 = tpu.memref_slice %arg2[%dma_wait3A_58, %dma_wait3A_59] : memref<10000x128xf32, #tpu.memory_space<hbm>> -> memref<10000x128xf32, #tpu.memory_space<hbm>>
    tpu.wait_indirect_dma semaphore(%arg7 : memref<!tpu.dma_semaphore, #tpu.memory_space<semaphore_mem>>) src(%dma_wait3A_60 : memref<10000x128xf32, #tpu.memory_space<hbm>>) dst(%dma_wait3A_54 : memref<64x128xf32, #tpu.memory_space<vmem>>)
    %dma_wait3A_61 = arith.constant 32 : i32
    %dma_wait3A_62 = arith.constant 64 : i32
    %dma_wait3A_63 = arith.constant 0 : i32
    %dma_wait3A_64 = tpu.memref_slice %arg6[%dma_wait3A_62, %dma_wait3A_63] : memref<320x128xf32, #tpu.memory_space<vmem>> -> memref<64x128xf32, #tpu.memory_space<vmem>>
    %dma_wait3A_65 = arith.constant 0 : i32
    %dma_wait3A_66 = tpu.memref_slice %arg5[%dma_wait3A_61, %dma_wait3A_65] : memref<160x64xi32, #tpu.memory_space<vmem>> -> memref<1x64xi32, #tpu.memory_space<vmem>>
    %dma_wait3A_67 = tpu.memref_squeeze %dma_wait3A_66 : memref<1x64xi32, #tpu.memory_space<vmem>> -> memref<64xi32, #tpu.memory_space<vmem>>
    %dma_wait3A_68 = arith.constant 0 : i32
    %dma_wait3A_69 = arith.constant 0 : i32
    %dma_wait3A_70 = tpu.memref_slice %arg2[%dma_wait3A_68, %dma_wait3A_69] : memref<10000x128xf32, #tpu.memory_space<hbm>> -> memref<10000x128xf32, #tpu.memory_space<hbm>>
    tpu.wait_indirect_dma semaphore(%arg7 : memref<!tpu.dma_semaphore, #tpu.memory_space<semaphore_mem>>) src(%dma_wait3A_70 : memref<10000x128xf32, #tpu.memory_space<hbm>>) dst(%dma_wait3A_64 : memref<64x128xf32, #tpu.memory_space<vmem>>)
    %dma_wait3A_71 = arith.constant 64 : i32
    %dma_wait3A_72 = arith.constant 128 : i32
    %dma_wait3A_73 = arith.constant 0 : i32
    %dma_wait3A_74 = tpu.memref_slice %arg6[%dma_wait3A_72, %dma_wait3A_73] : memref<320x128xf32, #tpu.memory_space<vmem>> -> memref<64x128xf32, #tpu.memory_space<vmem>>
    %dma_wait3A_75 = arith.constant 0 : i32
    %dma_wait3A_76 = tpu.memref_slice %arg5[%dma_wait3A_71, %dma_wait3A_75] : memref<160x64xi32, #tpu.memory_space<vmem>> -> memref<1x64xi32, #tpu.memory_space<vmem>>
    %dma_wait3A_77 = tpu.memref_squeeze %dma_wait3A_76 : memref<1x64xi32, #tpu.memory_space<vmem>> -> memref<64xi32, #tpu.memory_space<vmem>>
    %dma_wait3A_78 = arith.constant 0 : i32
    %dma_wait3A_79 = arith.constant 0 : i32
    %dma_wait3A_80 = tpu.memref_slice %arg2[%dma_wait3A_78, %dma_wait3A_79] : memref<10000x128xf32, #tpu.memory_space<hbm>> -> memref<10000x128xf32, #tpu.memory_space<hbm>>
    tpu.wait_indirect_dma semaphore(%arg7 : memref<!tpu.dma_semaphore, #tpu.memory_space<semaphore_mem>>) src(%dma_wait3A_80 : memref<10000x128xf32, #tpu.memory_space<hbm>>) dst(%dma_wait3A_74 : memref<64x128xf32, #tpu.memory_space<vmem>>)
    %dma_wait3A_81 = arith.constant 96 : i32
    %dma_wait3A_82 = arith.constant 192 : i32
    %dma_wait3A_83 = arith.constant 0 : i32
    %dma_wait3A_84 = tpu.memref_slice %arg6[%dma_wait3A_82, %dma_wait3A_83] : memref<320x128xf32, #tpu.memory_space<vmem>> -> memref<64x128xf32, #tpu.memory_space<vmem>>
    %dma_wait3A_85 = arith.constant 0 : i32
    %dma_wait3A_86 = tpu.memref_slice %arg5[%dma_wait3A_81, %dma_wait3A_85] : memref<160x64xi32, #tpu.memory_space<vmem>> -> memref<1x64xi32, #tpu.memory_space<vmem>>
    %dma_wait3A_87 = tpu.memref_squeeze %dma_wait3A_86 : memref<1x64xi32, #tpu.memory_space<vmem>> -> memref<64xi32, #tpu.memory_space<vmem>>
    %dma_wait3A_88 = arith.constant 0 : i32
    %dma_wait3A_89 = arith.constant 0 : i32
    %dma_wait3A_90 = tpu.memref_slice %arg2[%dma_wait3A_88, %dma_wait3A_89] : memref<10000x128xf32, #tpu.memory_space<hbm>> -> memref<10000x128xf32, #tpu.memory_space<hbm>>
    tpu.wait_indirect_dma semaphore(%arg7 : memref<!tpu.dma_semaphore, #tpu.memory_space<semaphore_mem>>) src(%dma_wait3A_90 : memref<10000x128xf32, #tpu.memory_space<hbm>>) dst(%dma_wait3A_84 : memref<64x128xf32, #tpu.memory_space<vmem>>)
    %dma_wait3A_91 = arith.constant 128 : i32
    %dma_wait3A_92 = arith.constant 256 : i32
    %dma_wait3A_93 = arith.constant 0 : i32
    %dma_wait3A_94 = tpu.memref_slice %arg6[%dma_wait3A_92, %dma_wait3A_93] : memref<320x128xf32, #tpu.memory_space<vmem>> -> memref<64x128xf32, #tpu.memory_space<vmem>>
    %dma_wait3A_95 = arith.constant 0 : i32
    %dma_wait3A_96 = tpu.memref_slice %arg5[%dma_wait3A_91, %dma_wait3A_95] : memref<160x64xi32, #tpu.memory_space<vmem>> -> memref<1x64xi32, #tpu.memory_space<vmem>>
    %dma_wait3A_97 = tpu.memref_squeeze %dma_wait3A_96 : memref<1x64xi32, #tpu.memory_space<vmem>> -> memref<64xi32, #tpu.memory_space<vmem>>
    %dma_wait3A_98 = arith.constant 0 : i32
    %dma_wait3A_99 = arith.constant 0 : i32
    %dma_wait3A_100 = tpu.memref_slice %arg2[%dma_wait3A_98, %dma_wait3A_99] : memref<10000x128xf32, #tpu.memory_space<hbm>> -> memref<10000x128xf32, #tpu.memory_space<hbm>>
    tpu.wait_indirect_dma semaphore(%arg7 : memref<!tpu.dma_semaphore, #tpu.memory_space<semaphore_mem>>) src(%dma_wait3A_100 : memref<10000x128xf32, #tpu.memory_space<hbm>>) dst(%dma_wait3A_94 : memref<64x128xf32, #tpu.memory_space<vmem>>)
    %scan3A = arith.constant 0 : i32
    %scan3A_101 = arith.constant 0 : i32
    %scan3A_102 = arith.constant 155 : i32
    %scan3A_103 = arith.addi %scan3A_101, %scan3A_102 : i32
    %scan3A_104 = arith.constant 1 : i32
    scf.for %scan3A_112 = %scan3A_101 to %scan3A_103 step %scan3A_104  : i32 {
      %jit3A = arith.constant 31 : i32
      %div3A = arith.divsi %scan3A_112, %jit3A : i32
      %sign3A = arith.constant 0 : i32
      %sign3A_113 = arith.cmpi sgt, %scan3A_112, %sign3A : i32
      %sign3A_114 = arith.extui %sign3A_113 : i1 to i32
      %sign3A_115 = arith.constant 0 : i32
      %sign3A_116 = arith.cmpi slt, %scan3A_112, %sign3A_115 : i32
      %sign3A_117 = arith.extui %sign3A_116 : i1 to i32
      %sign3A_118 = arith.subi %sign3A_114, %sign3A_117 : i32
      %sign3A_119 = arith.constant 0 : i32
      %sign3A_120 = arith.cmpi sgt, %jit3A, %sign3A_119 : i32
      %sign3A_121 = arith.extui %sign3A_120 : i1 to i32
      %sign3A_122 = arith.constant 0 : i32
      %sign3A_123 = arith.cmpi slt, %jit3A, %sign3A_122 : i32
      %sign3A_124 = arith.extui %sign3A_123 : i1 to i32
      %sign3A_125 = arith.subi %sign3A_121, %sign3A_124 : i32
      %ne3A = arith.cmpi ne, %sign3A_118, %sign3A_125 : i32
      %rem3A = arith.remsi %scan3A_112, %jit3A : i32
      %ne3A_126 = arith.constant 0 : i32
      %ne3A_127 = arith.cmpi ne, %rem3A, %ne3A_126 : i32
      %and3A = arith.andi %ne3A, %ne3A_127 : i1
      %sub3A = arith.constant 1 : i32
      %sub3A_128 = arith.subi %div3A, %sub3A : i32
      %select_n3A = arith.select %and3A, %sub3A_128, %div3A : i32
      %jit3A_129 = arith.constant 31 : i32
      %eq3A = arith.constant 0 : i32
      %eq3A_130 = arith.cmpi eq, %jit3A_129, %eq3A : i32
      %jit3A_131 = arith.constant 1 : i32
      %select_n3A_132 = arith.select %eq3A_130, %jit3A_131, %jit3A_129 : i32
      %rem3A_133 = arith.remsi %scan3A_112, %select_n3A_132 : i32
      %ne3A_134 = arith.constant 0 : i32
      %ne3A_135 = arith.cmpi ne, %rem3A_133, %ne3A_134 : i32
      %lt3A = arith.constant 0 : i32
      %lt3A_136 = arith.cmpi slt, %rem3A_133, %lt3A : i32
      %lt3A_137 = arith.constant 0 : i32
      %lt3A_138 = arith.cmpi slt, %select_n3A_132, %lt3A_137 : i32
      %ne3A_139 = arith.xori %lt3A_136, %lt3A_138 : i1
      %and3A_140 = arith.andi %ne3A_139, %ne3A_135 : i1
      %add3A_141 = arith.addi %rem3A_133, %select_n3A_132 : i32
      %select_n3A_142 = arith.select %and3A_140, %add3A_141, %rem3A_133 : i32
      %add3A_143 = arith.constant 1 : i32
      %add3A_144 = arith.addi %select_n3A_142, %add3A_143 : i32
      %mul3A_145 = arith.constant 32 : i32
      %mul3A_146 = arith.muli %select_n3A, %mul3A_145 : i32
      %add3A_147 = arith.addi %mul3A_146, %add3A_144 : i32
      %mul3A_148 = arith.constant 64 : i32
      %mul3A_149 = arith.muli %select_n3A, %mul3A_148 : i32
      %dma_start3A_150 = arith.constant 0 : i32
      %dma_start3A_151 = tpu.memref_slice %arg6[%mul3A_149, %dma_start3A_150] : memref<320x128xf32, #tpu.memory_space<vmem>> -> memref<64x128xf32, #tpu.memory_space<vmem>>
      %dma_start3A_152 = arith.constant 0 : i32
      %dma_start3A_153 = tpu.memref_slice %arg5[%add3A_147, %dma_start3A_152] : memref<160x64xi32, #tpu.memory_space<vmem>> -> memref<1x64xi32, #tpu.memory_space<vmem>>
      %dma_start3A_154 = tpu.memref_squeeze %dma_start3A_153 : memref<1x64xi32, #tpu.memory_space<vmem>> -> memref<64xi32, #tpu.memory_space<vmem>>
      %dma_start3A_155 = arith.constant 0 : i32
      %dma_start3A_156 = arith.constant 0 : i32
      %dma_start3A_157 = tpu.memref_slice %arg2[%dma_start3A_155, %dma_start3A_156] : memref<10000x128xf32, #tpu.memory_space<hbm>> -> memref<10000x128xf32, #tpu.memory_space<hbm>>
      tpu.enqueue_indirect_dma source(%dma_start3A_157 : memref<10000x128xf32, #tpu.memory_space<hbm>>) target(%dma_start3A_151 : memref<64x128xf32, #tpu.memory_space<vmem>>) offsets(%dma_start3A_154 : memref<64xi32, #tpu.memory_space<vmem>>) semaphore(%arg8 : memref<!tpu.dma_semaphore, #tpu.memory_space<semaphore_mem>>) {add = true}
    }
    %scan3A_105 = arith.constant 155 : i32
    %scan3A_106 = arith.constant 0 : i32
    %scan3A_107 = arith.constant 0 : i32
    %scan3A_108 = arith.constant 155 : i32
    %scan3A_109 = arith.addi %scan3A_107, %scan3A_108 : i32
    %scan3A_110 = arith.constant 1 : i32
    scf.for %scan3A_112 = %scan3A_107 to %scan3A_109 step %scan3A_110  : i32 {
      %dma_wait3A_113 = arith.constant 0 : i32
      %dma_wait3A_114 = arith.constant 0 : i32
      %dma_wait3A_115 = arith.constant 0 : i32
      %dma_wait3A_116 = tpu.memref_slice %arg6[%dma_wait3A_114, %dma_wait3A_115] : memref<320x128xf32, #tpu.memory_space<vmem>> -> memref<64x128xf32, #tpu.memory_space<vmem>>
      %dma_wait3A_117 = arith.constant 0 : i32
      %dma_wait3A_118 = tpu.memref_slice %arg5[%dma_wait3A_113, %dma_wait3A_117] : memref<160x64xi32, #tpu.memory_space<vmem>> -> memref<1x64xi32, #tpu.memory_space<vmem>>
      %dma_wait3A_119 = tpu.memref_squeeze %dma_wait3A_118 : memref<1x64xi32, #tpu.memory_space<vmem>> -> memref<64xi32, #tpu.memory_space<vmem>>
      %dma_wait3A_120 = arith.constant 0 : i32
      %dma_wait3A_121 = arith.constant 0 : i32
      %dma_wait3A_122 = tpu.memref_slice %arg2[%dma_wait3A_120, %dma_wait3A_121] : memref<10000x128xf32, #tpu.memory_space<hbm>> -> memref<10000x128xf32, #tpu.memory_space<hbm>>
      tpu.wait_indirect_dma semaphore(%arg8 : memref<!tpu.dma_semaphore, #tpu.memory_space<semaphore_mem>>) src(%dma_wait3A_122 : memref<10000x128xf32, #tpu.memory_space<hbm>>) dst(%dma_wait3A_116 : memref<64x128xf32, #tpu.memory_space<vmem>>)
    }
    %scan3A_111 = arith.constant 155 : i32
    "tpu.region"() ({
      %run_scoped3A = tpu.sem_alloc : memref<!tpu.dma_semaphore, #tpu.memory_space<semaphore_mem>>
      %dma_start3A_112 = arith.constant 0 : i32
      %dma_start3A_113 = tpu.memref_slice %arg4[%mul3A_2, %dma_start3A_112] : memref<10240x128xf32, #tpu.memory_space<hbm>> -> memref<320x128xf32, #tpu.memory_space<hbm>>
      %dma_start3A_114 = arith.constant 0 : i32
      %dma_start3A_115 = tpu.memref_slice %arg4[%mul3A_2, %dma_start3A_114] : memref<10240x128xf32, #tpu.memory_space<hbm>> -> memref<320x128xf32, #tpu.memory_space<hbm>>
      tpu.enqueue_dma source(%arg6 : memref<320x128xf32, #tpu.memory_space<vmem>>) target(%dma_start3A_115 : memref<320x128xf32, #tpu.memory_space<hbm>>) target_semaphore(%run_scoped3A : memref<!tpu.dma_semaphore, #tpu.memory_space<semaphore_mem>>)
      %dma_wait3A_116 = arith.constant 0 : i32
      %dma_wait3A_117 = tpu.memref_slice %arg4[%mul3A_2, %dma_wait3A_116] : memref<10240x128xf32, #tpu.memory_space<hbm>> -> memref<320x128xf32, #tpu.memory_space<hbm>>
      %dma_wait3A_118 = arith.constant 0 : i32
      %dma_wait3A_119 = tpu.memref_slice %arg4[%mul3A_2, %dma_wait3A_118] : memref<10240x128xf32, #tpu.memory_space<hbm>> -> memref<320x128xf32, #tpu.memory_space<hbm>>
      tpu.wait_dma2 semaphore(%run_scoped3A : memref<!tpu.dma_semaphore, #tpu.memory_space<semaphore_mem>>) src(%arg6 : memref<320x128xf32, #tpu.memory_space<vmem>>) dst(%dma_wait3A_119 : memref<320x128xf32, #tpu.memory_space<hbm>>)
      tpu.yield
    }) : () -> ()
    return
  }
}

module attributes {stable_mosaic.version = 14 : i64} {
  func.func @_mm_body(%arg0: i32, %arg1: memref<1000x128xf32, #tpu.memory_space<vmem>>, %arg2: memref<128x128xf32, #tpu.memory_space<vmem>>, %arg3: memref<1000x128xf32, #tpu.memory_space<vmem>>) attributes {dimension_semantics = [#tpu.dimension_semantics<arbitrary>], iteration_bounds = array<i64: 10>, scalar_prefetch = 0 : i64, scratch_operands = 0 : i64, tpu.core_type = #tpu.core_type<tc>, window_params = [{transform_indices = @transform_0, window_bounds = array<i64: 1000, 128>}, {pipeline_mode = #tpu.pipeline_mode<synchronous>, transform_indices = @transform_1, window_bounds = array<i64: 128, 128>}, {transform_indices = @transform_2, window_bounds = array<i64: 1000, 128>}]} {
    %get3A = arith.constant 0 : index
    %get3A_0 = arith.constant 0 : index
    %get3A_1 = vector.load %arg1[%get3A, %get3A_0] : memref<1000x128xf32, #tpu.memory_space<vmem>>, vector<1000x128xf32>
    %get3A_2 = arith.constant 0 : index
    %get3A_3 = arith.constant 0 : index
    %get3A_4 = vector.load %arg2[%get3A_2, %get3A_3] : memref<128x128xf32, #tpu.memory_space<vmem>>, vector<128x128xf32>
    %dot_general3A = arith.constant dense<0.000000e+00> : vector<1000x128xf32>
    %dot_general3A_5 = tpu.matmul %get3A_1, %get3A_4, %dot_general3A {dimension_numbers = #tpu.dot_dimension_numbers<[1], [0], [0], [1], [0, 0, 1, 1], [], []>, transpose_lhs_hint = false} : vector<1000x128xf32>, vector<128x128xf32>, vector<1000x128xf32> -> vector<1000x128xf32>
    %swap3A = arith.constant 0 : index
    %swap3A_6 = arith.constant 0 : index
    %swap3A_7 = vector.load %arg3[%swap3A, %swap3A_6] : memref<1000x128xf32, #tpu.memory_space<vmem>>, vector<1000x128xf32>
    tpu.vector_store %arg3[%swap3A, %swap3A_6], %dot_general3A_5 {strides = array<i32>} : memref<1000x128xf32, #tpu.memory_space<vmem>>, vector<1000x128xf32>,
    return
  }
  func.func @transform_0(%arg0: i32) -> (i32, i32) {
    %c0_i32 = arith.constant 0 : i32
    %c0_i32_0 = arith.constant 0 : i32
    return %arg0, %c0_i32 : i32, i32
  }
  func.func @transform_1(%arg0: i32) -> (i32, i32) {
    %c0_i32 = arith.constant 0 : i32
    %c0_i32_0 = arith.constant 0 : i32
    %c0_i32_1 = arith.constant 0 : i32
    return %c0_i32, %c0_i32_0 : i32, i32
  }
  func.func @transform_2(%arg0: i32) -> (i32, i32) {
    %c0_i32 = arith.constant 0 : i32
    %c0_i32_0 = arith.constant 0 : i32
    return %arg0, %c0_i32 : i32, i32
  }
}

</mosaic_0001>

<sc_bundles>
// kernel: kernel.4.cloned.1.call-start
scs
__scs_entry_jumppad:
0x0: {  	(pc) =	sbr.rel $0x88, $3  }
0x1: {  	(tag) =	ssettag $0x0;
	lr =	simm.s32 $0x1  }
0x2: {  	[smem:$0x3F9E] =	sst lr;
	_ =	strace $0xD0000000  }
0x3: {  	_ = 	snop  }
0x4: {  	_ = 	snop  }
0x5: {  	_ = 	snop  }
0x6: {  	_ = 	snop  }
0x7: {  	_ = 	snop  }
__scs_overlays_trampoline_lowered:
0x8: {  	[smem:$0x3FAD] =	sst s0  }
0x9: {  	[smem:$0x3FAE] =	sst s1  }
0xa: {  	[smem:$0x3FAF] =	sst s2  }
0xb: {  	[smem:$0x3FB0] =	sst s3  }
0xc: {  	[smem:$0x3FB1] =	sst s4  }
0xd: {  	[smem:$0x3FB2] =	sst s5  }
0xe: {  	[smem:$0x3FB3] =	sst s6  }
0xf: {  	[smem:$0x3FB4] =	sst s7  }
0x10: {  	[smem:$0x3FB5] =	sst s8  }
0x11: {  	[smem:$0x3FB6] =	sst s9;
	s0 =	simm.s32 @!p0 $0x0  }
0x12: {  	s1 =	sld [smem:$0x3F9C];
	s0 =	simm.s32 @p0 $0x1  }
0x13: {  	[smem:$0x3FB7] =	sst s0;
	s0 =	simm.s32 @!p1 $0x0  }
0x14: {  	s2 =	sld [smem:$0x3F9B];
	s0 =	simm.s32 @p1 $0x1  }
0x15: {  	[smem:$0x3FB8] =	sst s0;
	s0 =	simm.s32 @!p2 $0x0  }
0x16: {  	s3 =	sld [smem:$0x3FDB];
	s0 =	simm.s32 @p2 $0x1  }
0x17: {  	s4 =	simm.s32 $0x1BF5;
	[smem:$0x3FBA] =	sst s0  }
0x18: {  	s0 =	sld [smem:$0x3F9D];
	_ =	swait.ge [sflag:s4], $0x0  }
0x19: {  	s7 =	sld [smem:$0x3F9E]  }
0x1a: {  	s8 =	sadd.s32 $0xFFFFE003, lr  }
0x1b: {  	s9 =	sadd.s32 $0xFFFFFEF7, lr;
	s5 =	simm.s32 $0xFFFFFFFF;
	p2 =	slt.u32 s8, $0xFFFFF086  }
0x1c: {  	p1 =	slt.u32 s9, $0xF7A;
	s5 =	simm.s32 @!p2 $0x0  }
0x1d: {  	s5 =	simm.s32 @p1 $0x1;
	p0 =	seq.s32 s7, s2  }
0x1e: {  	s7 =	smul.u32 @!p0 $0xF7A, s2;
	p2 =	seq.s32 @!p0 s5, $0x0  }
0x1f: {  	s9 =	smul.u32 $0xF7A, s1;
	s8 =	simm.s32 @!p0 $0x1BF5;
	p2 =	por !p2, p0  }
0x20: {  	[sflag:s8] =	ssyncset.s32 @!p0 $0xFFFFF086;
	s6 =	sadd.s32 @!p0 s3, s7;
	s7 =	simm.s32 @!p0 $0x108  }
0x21: {  	s3 =	sadd.s32 s3, s9;
	s6 =	sadd.s32 @!p0 $0x88, s6;
	s7 =	simm.s32 @p2 $0x1082  }
0x22: {  	[simem:s7], [sflag:s8] =	dma.local @!p0 [hbm:s6], $0xF7A  }
0x23: {  	s9 =	sor.u32 $0xD0000000, s2;
	s6 =	simm.s32 $0x108;
	_ =	swait.ge @!p0 [sflag:s8], $0x0  }
0x24: {  	s3 =	sadd.s32 $0x88, s3;
	s6 =	simm.s32 @!p1 $0x1082;
	[sflag:s4] =	ssyncset.s32 $0xFFFFF086  }
0x25: {  	[simem:s6], [sflag:s4] =	dma.local [hbm:s3], $0xF7A  }
0x26: {  	[smem:$0x3F9E] =	sst s1;
	(tag) =	ssettag s2;
	_ =	strace s9  }
0x27: {  	s1 =	sld [smem:$0x3FAE]  }
0x28: {  	s2 =	sld [smem:$0x3FAF]  }
0x29: {  	s4 =	sld [smem:$0x3FB1]  }
0x2a: {  	p0 =	seq.s32 s5, $0x0;
	s5 =	sld [smem:$0x3FB2]  }
0x2b: {  	s6 =	sld [smem:$0x3FB3]  }
0x2c: {  	s7 =	sld [smem:$0x3FB4]  }
0x2d: {  	s3 =	simm.s32 $0x108;
	s8 =	sld [smem:$0x3FB5]  }
0x2e: {  	s3 =	simm.s32 @!p0 $0x1082;
	s9 =	sld [smem:$0x3FB6]  }
0x2f: {  	lr =	sadd.s32 s0, s3;
	s0 =	sld [smem:$0x3FAD]  }
0x30: {  	s3 =	sld [smem:$0x3FB0]  }
0x31: {  	[smem:$0x3FB9] =	sst s10  }
0x32: {  	s10 =	sld [smem:$0x3FB7];
	_ =	sdelay $0x3  }
0x33: {  	p0 =	seq.s32 s10, $0x1;
	s10 =	sld [smem:$0x3FB9];
	_ =	sdelay $0x3  }
0x34: {  	[smem:$0x3FB9] =	sst s10  }
0x35: {  	s10 =	sld [smem:$0x3FB8];
	_ =	sdelay $0x3  }
0x36: {  	p1 =	seq.s32 s10, $0x1;
	s10 =	sld [smem:$0x3FB9];
	_ =	sdelay $0x3  }
0x37: {  	[smem:$0x3FB9] =	sst s10  }
0x38: {  	s10 =	sld [smem:$0x3FBA]  }
0x39: {  	_ = 	snop;
	(pc) =	sbr.ind lr, $3  }
0x3a: {  	_ = 	snop  }
0x3b: {  	_ = 	snop  }
0x3c: {  	p2 =	seq.s32 s10, $0x1;
	s10 =	sld [smem:$0x3FB9]  }
0x3d: {  	_ =	shalt  }
0x3e: {  	_ =	shalt  }
0x3f: {  	_ =	shalt  }
0x40: {  	_ =	shalt  }
0x41: {  	_ =	shalt  }
0x42: {  	_ =	shalt  }
0x43: {  	_ =	shalt  }
0x44: {  	_ =	shalt  }
0x45: {  	_ =	shalt  }
0x46: {  	_ =	shalt  }
0x47: {  	_ =	shalt  }
0x48: {  	_ =	shalt  }
0x49: {  	_ =	shalt  }
0x4a: {  	_ =	shalt  }
0x4b: {  	_ =	shalt  }
0x4c: {  	_ =	shalt  }
0x4d: {  	_ =	shalt  }
0x4e: {  	_ =	shalt  }
0x4f: {  	_ =	shalt  }
0x50: {  	_ =	shalt  }
0x51: {  	_ =	shalt  }
0x52: {  	_ =	shalt  }
0x53: {  	_ =	shalt  }
0x54: {  	_ =	shalt  }
0x55: {  	_ =	shalt  }
0x56: {  	_ =	shalt  }
0x57: {  	_ =	shalt  }
0x58: {  	_ =	shalt  }
0x59: {  	_ =	shalt  }
0x5a: {  	_ =	shalt  }
0x5b: {  	_ =	shalt  }
0x5c: {  	_ =	shalt  }
0x5d: {  	_ =	shalt  }
0x5e: {  	_ =	shalt  }
0x5f: {  	_ =	shalt  }
0x60: {  	_ =	shalt  }
0x61: {  	_ =	shalt  }
0x62: {  	_ =	shalt  }
0x63: {  	_ =	shalt  }
0x64: {  	_ =	shalt  }
0x65: {  	_ =	shalt  }
0x66: {  	_ =	shalt  }
0x67: {  	_ =	shalt  }
0x68: {  	_ =	shalt  }
0x69: {  	_ =	shalt  }
0x6a: {  	_ =	shalt  }
0x6b: {  	_ =	shalt  }
0x6c: {  	_ =	shalt  }
0x6d: {  	_ =	shalt  }
0x6e: {  	_ =	shalt  }
0x6f: {  	_ =	shalt  }
0x70: {  	_ =	shalt  }
0x71: {  	_ =	shalt  }
0x72: {  	_ =	shalt  }
0x73: {  	_ =	shalt  }
0x74: {  	_ =	shalt  }
0x75: {  	_ =	shalt  }
0x76: {  	_ =	shalt  }
0x77: {  	_ =	shalt  }
0x78: {  	_ =	shalt  }
0x79: {  	_ =	shalt  }
0x7a: {  	_ =	shalt  }
0x7b: {  	_ =	shalt  }
0x7c: {  	_ =	shalt  }
0x7d: {  	_ =	shalt  }
0x7e: {  	_ =	shalt  }
0x7f: {  	_ =	shalt  }
0x80: {  	_ =	shalt  }
0x81: {  	_ =	shalt  }
0x82: {  	_ =	shalt  }
0x83: {  	_ =	shalt  }
0x84: {  	_ =	shalt  }
0x85: {  	_ =	shalt  }
0x86: {  	_ =	shalt  }
0x87: {  	_ =	shalt  }
.Lfunc_end0:
.L_simem_size_0:
called_computation_lowered:
.L_overlay_start_0:
0x88: {  	s2 =	sld [smem:$0x3FD9]  }
0x89: {  	s3 =	sld [smem:$0x3FFE];
	_ =	sdelay $0x1  }
0x8a: {  	s1 =	srdreg.scid  }
0x8b: {  	s0 =	sand.u32 $0x1, s1  }
0x8c: {  	s17 =	sshll.u32 s0, $0xA;
	s2 =	sadd.s32 s3, s2  }
0x8d: {  	s2 =	sadd.s32 s2, s17  }
0x8e: {  	[smem:$0x3FC5] =	sst s2  }
0x8f: {  	_ = 	snop  }
0x90: {  	s2 =	sld [smem:$0x3FD0];
	(tm) =	ssettm $0x1  }
0x91: {  	s18 =	sld [smem:$0x3FFB];
	_ =	sdelay $0x3  }
0x92: {  	_ =	strace s18  }
0x93: {  	s3 =	sld [smem:$0x3FFC];
	_ =	sdelay $0x3  }
0x94: {  	_ =	strace s3  }
0x95: {  	s3 =	sld [smem:$0x3FFD];
	_ =	sdelay $0x3  }
0x96: {  	_ =	strace s3  }
0x97: {  	_ =	strace $0x8FFFFFFF  }
0x98: {  	s19 =	sld [smem:$0x3FDB];
	_ =	sdelay $0x1  }
0x99: {  	s4 =	simm.s32 $_scs_section_size  }
0x9a: {  	s5 =	simm.s32 $_size__tile_overlayer_lowered;
	s6 =	simm.s32 $_tile_overlayer_lowered  }
0x9b: {  	s22 =	simm.s32 $0x1BFF;
	s21 =	sshll.u32 s6, $0x1;
	s3 =	sadd.s32 s4, s19  }
0x9c: {  	s7 =	simm.s32 $0x0;
	s20 =	sshll.u32 s5, $0x1;
	s5 =	sadd.s32 s21, s3  }
0x9d: {  	[timem:s7], [sflag:s22] =	dma.local [hbm:s5], s20  }
0x9e: {  	_ =	swait.ge [sflag:s22], s20  }
0x9f: {  	s4 =	ssub.s32 $0x0, s20;
	[sflag:s22] =	ssyncset.done $0x0  }
0xa0: {  	[sflag:s22] =	ssyncadd.s32 s4;
	_ =	sdelay $0x1  }
0xa1: {  	s23 =	simm.s32 $0x1B8B  }
0xa2: {  	_ =	swait.ge [sflag:s23], $0x1  }
0xa3: {  	[sflag:s23] =	ssyncset.done $0x0  }
0xa4: {  	s25 =	simm.s32 $0x1B8E;
	s24 =	sld [smem:$0x3FFE];
	[sflag:s23] =	ssyncadd.s32 $0xFFFFFFFF  }
0xa5: {  	s26 =	simm.s32 $execute0_lowered;
	[smem:$0x3FD2] =	sst s25  }
0xa6: {  	s5 =	sshll.u32 s26, $0x1;
	_ =	strace $0x80000046;
	[dreg:$0x1] =	wrdreg $0xFFFFFFFF  }
0xa7: {  	s28 =	simm.s32 $_size_execute0_lowered;
	s3 =	sadd.s32 s3, s5;
	[dreg:$0x0] =	wrdreg $0x0  }
0xa8: {  	s5 =	sshll.u32 s28, $0x1;
	[dreg:$0x2] =	wrdreg s3  }
0xa9: {  	[dreg:$0x3] =	wrdreg s5  }
0xaa: {  	[dreg:$0x4] =	wrdreg $0xC0  }
0xab: {  	_ =	task [dreg:s7], $0x5FFFF  }
0xac: {  	[dreg:$0x1] =	wrdreg $0xFFFFFFFF  }
0xad: {  	[dreg:$0x0] =	wrdreg $0x60  }
0xae: {  	[dreg:$0x2] =	wrdreg s2  }
0xaf: {  	[dreg:$0x3] =	wrdreg s24  }
0xb0: {  	[dreg:$0x4] =	wrdreg $0x9  }
0xb1: {  	_ =	task.clear_ibuf [dreg:s7], $0x5FFFF;
	_ =	strace $0x90000046  }
0xb2: {  	s29 =	simm.s32 $0x9;
	_ =	strace $0x80000048  }
0xb3: {  	_ =	swait.ge [sflag:s29], $0x1  }
0xb4: {  	[sflag:s29] =	ssyncadd.s32 $0xFFFFFFFF  }
0xb5: {  	_ =	strace $0x90000048  }
0xb6: {  	_ =	sfence  }
0xb7: {  	s30 =	sld [smem:$0x0];
	_ =	sdelay $0x2  }
0xb8: {  	s31 =	sshll.u32 s1, $0xD;
	s1 =	sshrl.u32 s1, $0x2  }
0xb9: {  	s3 =	sand.u32 $0x4000, s31;
	s1 =	sadd.s32 s1, s30  }
0xba: {  	s0 =	sor.u32 s3, s0;
	s1 =	sshll.u32 s1, $0x11  }
0xbb: {  	s0 =	sor.u32 s1, s0  }
0xbc: {  	s0 =	sadd.s32 $0x8F2B, s0  }
0xbd: {  	[sflag:s0] =	ssyncadd.remote.s32 $0x1  }
0xbe: {  	_ =	sfence.sel $0xFFFF  }
0xbf: {  	[dreg:$0x0] =	wrdreg $0xFFFFFFFF;
	(pc) =	sbr.abs _section_cstart, $3  }
0xc0: {  	[dreg:$0x1] =	wrdreg $0xFFFFFFFF  }
0xc1: {  	_ =	task.clear_ibuf [dreg:s7], $0x2FFFF;
	_ =	strace $0x9FFFFFFF  }
0xc2: {  	(tm) =	ssettm $0x7FFFFFFF  }
0xc3: {  	_ =	shalt  }
tec
execute0_lowered:
.L_overlay_start_1:
0x0: {  	(tag) =	ssettag $0x1  }
0x1: {  	s1 =	srdreg.scid;
	s2 =	rddreg [dreg:$0x0]  }
0x2: {  	s0 =	stileid.u32;
	s5 =	rddreg [dreg:$0x1];
	s3 =	simm.s32 $0x0  }
0x3: {  	s8 =	simm.s32 $0x40;
	s9 =	simm.s32 $0x5000;
	s10 =	simm.s32 $0x1000  }
0x4: {  	s11 =	simm.s32 $0x7000;
	s12 =	simm.s32 $0x2000;
	s13 =	simm.s32 $0x9000  }
0x5: {  	s14 =	simm.s32 $0x3000;
	s15 =	simm.s32 $0xB000;
	s16 =	simm.s32 $0x4000  }
0x6: {  	s17 =	simm.s32 $0xD000;
	s4 =	sand.u32 $0x1, s1;
	s30 =	sshll.u32 s0, $0x1  }
0x7: {  	s18 =	simm.s32 $0x1;
	s19 =	simm.s32 $0x2;
	s6 =	sor.u32 s4, s30  }
0x8: {  	s20 =	simm.s32 $0x0;
	s1 =	rddreg [dreg:$0x2];
	s7 =	smul.u32 $0xA00, s6  }
0x9: {  	[smem:$0x7FF] =	sst s3;
	s4 =	ssub.s32 $0x2, s4;
	s6 =	smul.u32 $0x1400, s6  }
0xa: {  	_ =	strace $0x80000047;
	s31 =	sshrl.u32 s4, $0x1;
	s7 =	sadd.s32 s7, s5  }
0xb: {  	s5 =	sadd.s32 s6, s5;
	s6 =	ssub.s32 s4, s31;
	s4 =	sadd.s32 $0x1000, s7  }
0xc: {  	s5 =	sadd.s32 $0x15000, s5;
	s6 =	smax.u32 s6, $0x1;
	s7 =	simm.s32 $0x3  }
.LBB2_1:
0xd: {  	[tilespmem:s3], [sflag:$0x3] =	stream.linear.gather [hbm4b:s4+s3], $0x5000, $0x38;
	[tilespmem:$0xF000] =	vst v63  }
0xe: {  	_ =	swait.ge [sflag:s7], $0x5000  }
0xf: {  	[sflag:s7] =	ssyncset.done $0x0  }
0x10: {  	[sflag:s7] =	ssyncadd.s32 $0xFFFFB000  }
0x11: {  	[tilespmem:s9], [sflag:$0x1] =	stream.indirect.gather [hbm4b:s2+s8], $0x80, s3, s8, $0xb8;
	[tilespmem:$0xF000] =	vst v63  }
0x12: {  	_ = 	snop  }
0x13: {  	[tilespmem:s11], [sflag:$0x1] =	stream.indirect.gather [hbm4b:s2+s8], $0x80, s10, s8, $0xb8;
	[tilespmem:$0xF000] =	vst v63  }
0x14: {  	_ = 	snop  }
0x15: {  	[tilespmem:s13], [sflag:$0x1] =	stream.indirect.gather [hbm4b:s2+s8], $0x80, s12, s8, $0xb8;
	[tilespmem:$0xF000] =	vst v63  }
0x16: {  	_ = 	snop  }
0x17: {  	[tilespmem:s15], [sflag:$0x1] =	stream.indirect.gather [hbm4b:s2+s8], $0x80, s14, s8, $0xb8;
	[tilespmem:$0xF000] =	vst v63  }
0x18: {  	_ = 	snop  }
0x19: {  	[tilespmem:s17], [sflag:$0x1] =	stream.indirect.gather [hbm4b:s2+s8], $0x80, s16, s8, $0xb8;
	[tilespmem:$0xF000] =	vst v63  }
0x1a: {  	_ =	swait.ge [sflag:s18], $0x2000  }
0x1b: {  	[sflag:s18] =	ssyncset.done $0x0  }
0x1c: {  	[sflag:s18] =	ssyncadd.s32 $0xFFFFE000  }
0x1d: {  	_ =	swait.ge [sflag:s18], $0x2000  }
0x1e: {  	[sflag:s18] =	ssyncset.done $0x0  }
0x1f: {  	s21 =	smul.u32 $0x9, s3;
	[sflag:s18] =	ssyncadd.s32 $0xFFFFE000  }
0x20: {  	_ =	swait.ge [sflag:s18], $0x2000  }
0x21: {  	s22 =	sshrl.u32 s21, $0x8;
	[sflag:s18] =	ssyncset.done $0x0  }
0x22: {  	s21 =	ssub.s32 $0x0, s22;
	[sflag:s18] =	ssyncadd.s32 $0xFFFFE000  }
0x23: {  	s23 =	sand.u32 $0xFE, s21;
	_ =	swait.ge [sflag:s18], $0x2000  }
0x24: {  	s21 =	simm.s32 $0x1;
	s23 =	sshrl.u32 s23, $0x1;
	[sflag:s18] =	ssyncset.done $0x0  }
0x25: {  	s24 =	smul.u32 $0x9, s21;
	s22 =	sadd.s32 s22, s23;
	[sflag:s18] =	ssyncadd.s32 $0xFFFFE000  }
0x26: {  	s23 =	simm.s32 $0x0;
	s22 =	sand.u32 $0xF0, s22;
	_ =	swait.ge [sflag:s18], $0x2000  }
0x27: {  	s25 =	sshrl.u32 s24, $0x8;
	s22 =	sshrl.u32 s22, $0x4;
	[sflag:s18] =	ssyncset.done $0x0  }
0x28: {  	s24 =	simm.s32 $0x2;
	s26 =	smul.u32 $0x1F, s22;
	[sflag:s18] =	ssyncadd.s32 $0xFFFFE000  }
.LBB2_2:
0x29: {  	p0 =	sne.s32 s24, $0x9A;
	s28 =	ssub.s32 s21, s25  }
0x2a: {  	s29 =	smov.u32 s21;
	s21 =	smov.u32 s24;
	s28 =	sand.u32 $0xFE, s28  }
0x2b: {  	s26 =	ssub.s32 s23, s26;
	s23 =	smov.u32 s29;
	s28 =	sshrl.u32 s28, $0x1  }
0x2c: {  	s29 =	smul.u32 $0x9, s24;
	s26 =	sand.u32 $0xFF, s26;
	s25 =	sadd.s32 s25, s28  }
.Ltmp0:
0x2d: {  	s28 =	sshll.u32 s22, $0xC;
	s26 =	sshll.u32 s26, $0x7;
	(pc) =	sbr.rel @p0 .LBB2_2-.Ltmp0, $4  }
0x2e: {  	s30 =	sshll.u32 s22, $0xD;
	s25 =	sand.u32 $0xF0, s25;
	s26 =	sor.u32 s26, s28  }
0x2f: {  	s22 =	sshrl.u32 s25, $0x4;
	s25 =	sadd.s32 $0x5000, s30;
	s26 =	sadd.s32 $0x80, s26  }
0x30: {  	[tilespmem:s25], [sflag:$0x2] =	stream.indirect.gather.add.f32 [hbm:s2], $0x80, s26, s8, $0xb8;
	[tilespmem:$0xF000] =	vst v63  }
0x31: {  	s24 =	sadd.s32 $0x1, s24;
	s25 =	sshrl.u32 s29, $0x8;
	s26 =	smul.u32 $0x1F, s22  }
0x32: {  	s24 =	ssub.s32 s21, s25  }
0x33: {  	s24 =	sand.u32 $0xFE, s24  }
0x34: {  	s23 =	ssub.s32 s23, s26;
	s24 =	sshrl.u32 s24, $0x1  }
0x35: {  	s23 =	sand.u32 $0xFF, s23;
	s24 =	sadd.s32 s25, s24  }
0x36: {  	s30 =	sshll.u32 s22, $0xC;
	s23 =	sshll.u32 s23, $0x7;
	s24 =	sand.u32 $0xF0, s24  }
0x37: {  	s31 =	sshll.u32 s22, $0xD;
	s23 =	sor.u32 s23, s30;
	s24 =	sshrl.u32 s24, $0x4  }
0x38: {  	s22 =	sadd.s32 $0x5000, s31;
	s23 =	sadd.s32 $0x80, s23;
	s26 =	smul.u32 $0x1F, s24  }
0x39: {  	[tilespmem:s22], [sflag:$0x2] =	stream.indirect.gather.add.f32 [hbm:s2], $0x80, s23, s8, $0xb8;
	[tilespmem:$0xF000] =	vst v63  }
0x3a: {  	s28 =	ssub.s32 s21, s26  }
0x3b: {  	s21 =	sand.u32 $0xFF, s28  }
0x3c: {  	s29 =	sshll.u32 s24, $0xC;
	s21 =	sshll.u32 s21, $0x7  }
0x3d: {  	s30 =	sshll.u32 s24, $0xD;
	s21 =	sor.u32 s21, s29  }
0x3e: {  	s31 =	sadd.s32 $0x5000, s30;
	s21 =	sadd.s32 $0x80, s21  }
0x3f: {  	[tilespmem:s31], [sflag:$0x2] =	stream.indirect.gather.add.f32 [hbm:s2], $0x80, s21, s8, $0xb8;
	[tilespmem:$0xF000] =	vst v63  }
0x40: {  	_ =	swait.ge [sflag:s19], $0x2000  }
0x41: {  	s21 =	simm.s32 $0x9A;
	[sflag:s19] =	ssyncset.done $0x0  }
.LBB2_4:
0x42: {  	p0 =	sne.s32 s21, $0x1;
	s21 =	sadd.s32 $0xFFFFFFFF, s21;
	[sflag:s19] =	ssyncadd.s32 $0xFFFFE000  }
.Ltmp1:
0x43: {  	(pc) =	sbr.rel @p0 .LBB2_4-.Ltmp1, $3  }
0x44: {  	_ =	sdelay $0x1  }
0x45: {  	_ =	swait.ge [sflag:s19], $0x2000  }
0x46: {  	[sflag:s19] =	ssyncset.done $0x0  }
0x47: {  	s20 =	sadd.s32 $0x1, s20  }
0x48: {  	p0 =	sne.s32 s20, s6  }
.Ltmp2:
0x49: {  	[sflag:s19] =	ssyncadd.s32 $0xFFFFE000;
	(pc) =	sbr.rel @p0 .LBB2_1-.Ltmp2, $4  }
0x4a: {  	[hbm4b:s5+s3] =	stream.linear.scatter [tilespmem:s9], [sflag:$0x3], $0xA000, $0x38;
	[tilespmem:$0xF000] =	vst v63  }
0x4b: {  	_ =	swait.ge [sflag:s7], $0xA000  }
0x4c: {  	[sflag:s7] =	ssyncset.done $0x0  }
0x4d: {  	[sflag:s7] =	ssyncadd.s32 $0xFFFF6000  }
0x4e: {  	_ =	sfence.sel $0x180000  }
0x4f: {  	[bflag:$0x0] =	sbarrier.arrive $0xFFFF  }
0x50: {  	p0 =	sne.s32 s0, $0x0;
	_ =	strace $0x90000047  }
0x51: {  	s0 =	sadd.s32 @!p0 $0x100000, s1;
	[bflag:$0x2] =	sbarrier.arrive $0xFFFF  }
0x52: {  	[sflag:s0] =	ssyncadd.tile.s32 @!p0 $0x1;
	_ =	shalt  }
.Lfunc_end2:
_tile_overlayer_lowered:
.L_overlay_start_2:
0x53: {  	(tag) =	ssettag $0x2  }
0x54: {  	s0 =	rddreg [dreg:$0x0];
	s2 =	stileid.u32  }
0x55: {  	s1 =	rddreg [dreg:$0x1];
	p0 =	sne.s32 s2, $0x0  }
0x56: {  	s3 =	rddreg [dreg:$0x2];
	[bflag:$0x3] =	sbarrier.arrive $0xFFFF;
	s2 =	simm.s32 @!p0 $0x1C03  }
0x57: {  	[timem:s3], [sflag:s2] =	dma.local @!p0 [hbm:s0], s1  }
0x58: {  	s0 =	simm.s32 @!p0 $0x3  }
0x59: {  	_ =	swait.ge @!p0 [sflag:s0], s1  }
0x5a: {  	s1 =	ssub.s32 @!p0 $0x0, s1;
	[sflag:s0] =	ssyncset.done @!p0 $0x0  }
0x5b: {  	[sflag:s0] =	ssyncadd.s32 @!p0 s1  }
0x5c: {  	[bflag:$0x3] =	sbarrier.arrive $0xFFFF  }
0x5d: {  	_ =	shalt  }

</sc_bundles>
